<compile_context>
chip_gen: v7x
topology: tpu7x:2x2x1
jax: 0.10.2.dev20260603
libtpu: 0.0.44.dev20260713+nightly
codegen_flags: <defaults>
</compile_context>

<pallas_src>
import functools

import jax
import jax.numpy as jnp
from jax import lax
from jax.experimental import pallas as pl
from jax.experimental.pallas import tpu as pltpu
from jax.experimental.pallas import tpu_sc as plsc

B, P, S, D = 16, 512, 128, 64
K = S * D
PB = 128
NB = P // PB


def _dist_body(x_ref, m_ref, p_hbm, dist_ref, idx_ref, pbuf, sems, minv,
               mina):
    i = pl.program_id(0)
    slot = lax.rem(i, 2)
    nslot = lax.rem(i + 1, 2)

    H = PB // 2

    def _start(blk, s):
        pltpu.make_async_copy(
            p_hbm.at[pl.ds(blk * PB, H)], pbuf.at[s, pl.ds(0, H)],
            sems.at[s, 0]).start()
        pltpu.make_async_copy(
            p_hbm.at[pl.ds(blk * PB + H, H)], pbuf.at[s, pl.ds(H, H)],
            sems.at[s, 1]).start()

    def _wait(blk, s):
        pltpu.make_async_copy(
            p_hbm.at[pl.ds(blk * PB, H)], pbuf.at[s, pl.ds(0, H)],
            sems.at[s, 0]).wait()
        pltpu.make_async_copy(
            p_hbm.at[pl.ds(blk * PB + H, H)], pbuf.at[s, pl.ds(H, H)],
            sems.at[s, 1]).wait()

    @pl.when(i == 0)
    def _():
        _start(0, 0)

    @pl.when(i + 1 < NB)
    def _():
        _start(i + 1, nslot)

    _wait(i, slot)

    x = x_ref[...].reshape(B, K)
    mb = pltpu.repeat(m_ref[...], D, axis=1)
    pb = pbuf[slot].reshape(PB, K)
    xm = x * mb
    ph = pb.astype(jnp.bfloat16)
    plo = (pb - ph.astype(jnp.float32)).astype(jnp.bfloat16)
    xh = xm.astype(jnp.bfloat16)
    xlo = (xm - xh.astype(jnp.float32)).astype(jnp.bfloat16)

    def _dot(a, b):
        return lax.dot_general(a, b, (((1,), (1,)), ((), ())),
                               preferred_element_type=jnp.float32)

    cross = _dot(xh, ph) + (_dot(xh, plo) + _dot(xlo, ph))
    q = pb[:, 0:S] * pb[:, 0:S]
    for d in range(1, D):
        sl = pb[:, d * S:(d + 1) * S]
        q = q + sl * sl
    t2 = lax.dot_general(
        m_ref[...], q, (((1,), (1,)), ((), ())),
        preferred_element_type=jnp.float32,
        precision=lax.Precision.HIGHEST)
    x2m = jnp.sum(xm * x, axis=1, keepdims=True)
    dist = x2m + t2 - 2.0 * cross
    dist_ref[...] = dist

    lmin = jnp.min(dist, axis=1, keepdims=True)
    col = lax.broadcasted_iota(jnp.int32, (B, PB), 1)
    larg = jnp.min(jnp.where(dist == lmin, col, P), axis=1,
                   keepdims=True) + i * PB

    @pl.when(i == 0)
    def _():
        minv[...] = lmin
        mina[...] = larg

    @pl.when(i > 0)
    def _():
        better = lmin < minv[...]
        mina[...] = jnp.where(better, larg, mina[...])
        minv[...] = jnp.where(better, lmin, minv[...])

    @pl.when(i == NB - 1)
    def _():
        idx_ref[...] = mina[...]


_dist_call = pl.pallas_call(
    _dist_body,
    grid=(NB,),
    in_specs=[
        pl.BlockSpec((B, D, S), lambda i: (0, 0, 0)),
        pl.BlockSpec((B, S), lambda i: (0, 0)),
        pl.BlockSpec(memory_space=pltpu.MemorySpace.HBM),
    ],
    out_specs=[
        pl.BlockSpec((B, PB), lambda i: (0, i)),
        pl.BlockSpec((B, 1), lambda i: (0, 0)),
    ],
    out_shape=[
        jax.ShapeDtypeStruct((B, P), jnp.float32),
        jax.ShapeDtypeStruct((B, 1), jnp.int32),
    ],
    scratch_shapes=[
        pltpu.VMEM((2, PB, D, S), jnp.float32),
        pltpu.SemaphoreType.DMA((2, 2)),
        pltpu.VMEM((B, 1), jnp.float32),
        pltpu.VMEM((B, 1), jnp.int32),
    ],
)


def _sc_gather_body(idx_hbm, tab_hbm, out_hbm, idxv, entv, rows, sem):
    wid = lax.axis_index("s")
    pltpu.sync_copy(idx_hbm, idxv)
    base = idxv[...] * D
    entv[pl.ds(0, 16)] = base + 4 * wid
    entv[pl.ds(16, 16)] = base + 4 * wid + 1
    entv[pl.ds(32, 16)] = base + 4 * wid + 2
    entv[pl.ds(48, 16)] = base + 4 * wid + 3
    pltpu.async_copy(tab_hbm.at[entv], rows, sem).wait()
    pltpu.sync_copy(rows, out_hbm.at[pl.ds(wid * 64, 64)])


@functools.lru_cache(maxsize=1)
def _sc_gather_call():
    mesh = plsc.VectorSubcoreMesh(
        core_axis_name="c", subcore_axis_name="s",
        num_cores=1, num_subcores=16)
    return pl.kernel(
        _sc_gather_body,
        out_type=jax.ShapeDtypeStruct((D * B, S), jnp.float32),
        mesh=mesh,
        compiler_params=pltpu.CompilerParams(skip_device_barrier=True),
        scratch_types=[
            pltpu.VMEM((16,), jnp.int32),
            pltpu.VMEM((64,), jnp.int32),
            pltpu.VMEM((64, S), jnp.float32),
            pltpu.SemaphoreType.DMA,
        ],
    )


def kernel(input_seq, label, mask, prototypes):
    pT = prototypes.transpose(0, 2, 1)
    p_in = pltpu.with_memory_space_constraint(pT, pltpu.MemorySpace.HBM)
    dist, idx2 = _dist_call(input_seq.transpose(0, 2, 1), mask, p_in)
    indices = idx2.reshape(B)
    out2 = _sc_gather_call()(indices, pT.reshape(P * D, S))
    output_seq = out2.reshape(D, B, S).transpose(1, 2, 0)
    return (output_seq, input_seq, dist, indices, label, mask)

# --- scband reference (transcript-rebuilt; emitter-appended) ---
"""Pipeline reference for scband-kmeans-39350490366326 (READ-ONLY COPY).

The authoritative reference and input builder live on the scoring server;
editing this copy changes nothing except your own understanding.
"""

import jax, jax.numpy as jnp
import numpy as np

B, P, S, D = 16, 512, 128, 64

def setup_inputs(seed: int = 0) -> dict:
    key = jax.random.key(seed)
    k1, k2, k3 = jax.random.split(key, 3)
    input_seq = jax.random.normal(k1, (B, S, D), dtype=jnp.float32)
    label = jax.random.randint(k2, (B,), 0, 1000, dtype=jnp.int32)
    mask = jnp.ones((B, S), dtype=jnp.float32)
    prototypes = jax.random.normal(k3, (P, S, D), dtype=jnp.float32)
    return {"input_seq": input_seq, "label": label, "mask": mask, "prototypes": prototypes}

def reference(input_seq, label, mask, prototypes):
    # input_seq: [B, S, D]; mask: [B, S]; prototypes: [P, S, D]
    x = input_seq[:, None, :, :]            # [B, 1, S, D]
    m = mask[:, None, :, None]              # [B, 1, S, 1]
    protos = prototypes[None, :, :, :]      # [1, P, S, D]
    # criterion: (m * (x - y)**2).sum((2,3)) -> [B, P]
    distances = (m * (x - protos) ** 2).sum(axis=(2, 3))
    indices = jnp.argmin(distances, axis=1)  # [B]
    output_seq = prototypes[indices]         # gather codebook entries -> [B, S, D]
    return (output_seq, input_seq, distances, indices, label, mask)

if __name__ == "__main__":
    import jax
    _d = setup_inputs()
    print(jax.jit(kernel)(*tuple(_d.values())))

</pallas_src>

<mosaic_0001>
#map = affine_map<(d0, d1) -> (0)>
#map1 = affine_map<(d0, d1) -> (0, 0)>
module attributes {stable_mosaic.version = 14 : i64} {
  func.func @_sc_gather_body(%arg0: i32, %arg1: i32, %arg2: memref<16xi32, #tpu.memory_space<hbm>>, %arg3: memref<32768x128xf32, #tpu.memory_space<hbm>>, %arg4: memref<1024x128xf32, #tpu.memory_space<hbm>>, %arg5: memref<16xi32, #tpu.memory_space<vmem>>, %arg6: memref<64xi32, #tpu.memory_space<vmem>>, %arg7: memref<64x128xf32, #tpu.memory_space<vmem>>, %arg8: memref<!tpu.dma_semaphore, #tpu.memory_space<semaphore_mem>>) attributes {dimension_semantics = [#tpu.dimension_semantics<core_parallel>, #tpu.dimension_semantics<subcore_parallel>], iteration_bounds = array<i64: 1, 16>, scalar_prefetch = 0 : i64, scratch_operands = 4 : i64, tpu.core_type = #tpu.core_type<sc_vector_subcore>, window_params = [{transform_indices = #map}, {transform_indices = #map1}, {transform_indices = #map1}]} {
    "tpu.region"() ({
      %run_scoped3A = tpu.sem_alloc : memref<!tpu.dma_semaphore, #tpu.memory_space<semaphore_mem>>
      tpu.enqueue_dma source(%arg2 : memref<16xi32, #tpu.memory_space<hbm>>) target(%arg5 : memref<16xi32, #tpu.memory_space<vmem>>) target_semaphore(%run_scoped3A : memref<!tpu.dma_semaphore, #tpu.memory_space<semaphore_mem>>)
      tpu.wait_dma2 semaphore(%run_scoped3A : memref<!tpu.dma_semaphore, #tpu.memory_space<semaphore_mem>>) src(%arg2 : memref<16xi32, #tpu.memory_space<hbm>>) dst(%arg5 : memref<16xi32, #tpu.memory_space<vmem>>)
      tpu.yield
    }) : () -> ()
    %get3A = arith.constant 0 : index
    %get3A_0 = tpu.vector_load %arg5[%get3A] {strides = array<i32>} : memref<16xi32, #tpu.memory_space<vmem>>, vector<16xi32>,
    %get3A_1 = vector.shape_cast %get3A_0 : vector<16xi32> to vector<16xi32>
    %mul3A = arith.constant 64 : i32
    %mul3A_2 = vector.broadcast %mul3A : i32 to vector<16xi32>
    %mul3A_3 = arith.muli %get3A_1, %mul3A_2 : vector<16xi32>
    %mul3A_4 = arith.constant 4 : i32
    %mul3A_5 = arith.muli %mul3A_4, %arg1 : i32
    %add3A = vector.broadcast %mul3A_5 : i32 to vector<16xi32>
    %add3A_6 = arith.addi %mul3A_3, %add3A : vector<16xi32>
    %swap3A = arith.constant 0 : index
    %swap3A_7 = tpu.vector_load %arg6[%swap3A] {strides = array<i32>} : memref<64xi32, #tpu.memory_space<vmem>>, vector<16xi32>,
    %swap3A_8 = vector.shape_cast %swap3A_7 : vector<16xi32> to vector<16xi32>
    %swap3A_9 = vector.shape_cast %add3A_6 : vector<16xi32> to vector<16xi32>
    tpu.vector_store %arg6[%swap3A], %swap3A_9 {strides = array<i32>} : memref<64xi32, #tpu.memory_space<vmem>>, vector<16xi32>,
    %mul3A_10 = arith.constant 4 : i32
    %mul3A_11 = arith.muli %mul3A_10, %arg1 : i32
    %add3A_12 = vector.broadcast %mul3A_11 : i32 to vector<16xi32>
    %add3A_13 = arith.addi %mul3A_3, %add3A_12 : vector<16xi32>
    %add3A_14 = arith.constant 1 : i32
    %add3A_15 = vector.broadcast %add3A_14 : i32 to vector<16xi32>
    %add3A_16 = arith.addi %add3A_13, %add3A_15 : vector<16xi32>
    %swap3A_17 = arith.constant 16 : index
    %swap3A_18 = tpu.vector_load %arg6[%swap3A_17] {strides = array<i32>} : memref<64xi32, #tpu.memory_space<vmem>>, vector<16xi32>,
    %swap3A_19 = vector.shape_cast %swap3A_18 : vector<16xi32> to vector<16xi32>
    %swap3A_20 = vector.shape_cast %add3A_16 : vector<16xi32> to vector<16xi32>
    tpu.vector_store %arg6[%swap3A_17], %swap3A_20 {strides = array<i32>} : memref<64xi32, #tpu.memory_space<vmem>>, vector<16xi32>,
    %mul3A_21 = arith.constant 4 : i32
    %mul3A_22 = arith.muli %mul3A_21, %arg1 : i32
    %add3A_23 = vector.broadcast %mul3A_22 : i32 to vector<16xi32>
    %add3A_24 = arith.addi %mul3A_3, %add3A_23 : vector<16xi32>
    %add3A_25 = arith.constant 2 : i32
    %add3A_26 = vector.broadcast %add3A_25 : i32 to vector<16xi32>
    %add3A_27 = arith.addi %add3A_24, %add3A_26 : vector<16xi32>
    %swap3A_28 = arith.constant 32 : index
    %swap3A_29 = tpu.vector_load %arg6[%swap3A_28] {strides = array<i32>} : memref<64xi32, #tpu.memory_space<vmem>>, vector<16xi32>,
    %swap3A_30 = vector.shape_cast %swap3A_29 : vector<16xi32> to vector<16xi32>
    %swap3A_31 = vector.shape_cast %add3A_27 : vector<16xi32> to vector<16xi32>
    tpu.vector_store %arg6[%swap3A_28], %swap3A_31 {strides = array<i32>} : memref<64xi32, #tpu.memory_space<vmem>>, vector<16xi32>,
    %mul3A_32 = arith.constant 4 : i32
    %mul3A_33 = arith.muli %mul3A_32, %arg1 : i32
    %add3A_34 = vector.broadcast %mul3A_33 : i32 to vector<16xi32>
    %add3A_35 = arith.addi %mul3A_3, %add3A_34 : vector<16xi32>
    %add3A_36 = arith.constant 3 : i32
    %add3A_37 = vector.broadcast %add3A_36 : i32 to vector<16xi32>
    %add3A_38 = arith.addi %add3A_35, %add3A_37 : vector<16xi32>
    %swap3A_39 = arith.constant 48 : index
    %swap3A_40 = tpu.vector_load %arg6[%swap3A_39] {strides = array<i32>} : memref<64xi32, #tpu.memory_space<vmem>>, vector<16xi32>,
    %swap3A_41 = vector.shape_cast %swap3A_40 : vector<16xi32> to vector<16xi32>
    %swap3A_42 = vector.shape_cast %add3A_38 : vector<16xi32> to vector<16xi32>
    tpu.vector_store %arg6[%swap3A_39], %swap3A_42 {strides = array<i32>} : memref<64xi32, #tpu.memory_space<vmem>>, vector<16xi32>,
    %dma_start3A = arith.constant 0 : i32
    %dma_start3A_43 = arith.constant 0 : i32
    %dma_start3A_44 = tpu.memref_slice %arg3[%dma_start3A, %dma_start3A_43] : memref<32768x128xf32, #tpu.memory_space<hbm>> -> memref<32768x128xf32, #tpu.memory_space<hbm>>
    tpu.enqueue_indirect_dma source(%dma_start3A_44 : memref<32768x128xf32, #tpu.memory_space<hbm>>) target(%arg7 : memref<64x128xf32, #tpu.memory_space<vmem>>) offsets(%arg6 : memref<64xi32, #tpu.memory_space<vmem>>) semaphore(%arg8 : memref<!tpu.dma_semaphore, #tpu.memory_space<semaphore_mem>>)
    %dma_wait3A = arith.constant 0 : i32
    %dma_wait3A_45 = arith.constant 0 : i32
    %dma_wait3A_46 = tpu.memref_slice %arg3[%dma_wait3A, %dma_wait3A_45] : memref<32768x128xf32, #tpu.memory_space<hbm>> -> memref<32768x128xf32, #tpu.memory_space<hbm>>
    tpu.wait_indirect_dma semaphore(%arg8 : memref<!tpu.dma_semaphore, #tpu.memory_space<semaphore_mem>>) src(%dma_wait3A_46 : memref<32768x128xf32, #tpu.memory_space<hbm>>) dst(%arg7 : memref<64x128xf32, #tpu.memory_space<vmem>>)
    %mul3A_47 = arith.constant 64 : i32
    %mul3A_48 = arith.muli %arg1, %mul3A_47 : i32
    "tpu.region"() ({
      %run_scoped3A = tpu.sem_alloc : memref<!tpu.dma_semaphore, #tpu.memory_space<semaphore_mem>>
      %dma_start3A_49 = arith.constant 0 : i32
      %dma_start3A_50 = tpu.memref_slice %arg4[%mul3A_48, %dma_start3A_49] : memref<1024x128xf32, #tpu.memory_space<hbm>> -> memref<64x128xf32, #tpu.memory_space<hbm>>
      %dma_start3A_51 = arith.constant 0 : i32
      %dma_start3A_52 = tpu.memref_slice %arg4[%mul3A_48, %dma_start3A_51] : memref<1024x128xf32, #tpu.memory_space<hbm>> -> memref<64x128xf32, #tpu.memory_space<hbm>>
      tpu.enqueue_dma source(%arg7 : memref<64x128xf32, #tpu.memory_space<vmem>>) target(%dma_start3A_52 : memref<64x128xf32, #tpu.memory_space<hbm>>) target_semaphore(%run_scoped3A : memref<!tpu.dma_semaphore, #tpu.memory_space<semaphore_mem>>)
      %dma_wait3A_53 = arith.constant 0 : i32
      %dma_wait3A_54 = tpu.memref_slice %arg4[%mul3A_48, %dma_wait3A_53] : memref<1024x128xf32, #tpu.memory_space<hbm>> -> memref<64x128xf32, #tpu.memory_space<hbm>>
      %dma_wait3A_55 = arith.constant 0 : i32
      %dma_wait3A_56 = tpu.memref_slice %arg4[%mul3A_48, %dma_wait3A_55] : memref<1024x128xf32, #tpu.memory_space<hbm>> -> memref<64x128xf32, #tpu.memory_space<hbm>>
      tpu.wait_dma2 semaphore(%run_scoped3A : memref<!tpu.dma_semaphore, #tpu.memory_space<semaphore_mem>>) src(%arg7 : memref<64x128xf32, #tpu.memory_space<vmem>>) dst(%dma_wait3A_56 : memref<64x128xf32, #tpu.memory_space<hbm>>)
      tpu.yield
    }) : () -> ()
    return
  }
}

module attributes {stable_mosaic.version = 14 : i64} {
  func.func @_dist_body(%arg0: i32, %arg1: memref<16x64x128xf32, #tpu.memory_space<vmem>>, %arg2: memref<16x128xf32, #tpu.memory_space<vmem>>, %arg3: memref<512x64x128xf32, #tpu.memory_space<hbm>>, %arg4: memref<16x128xf32, #tpu.memory_space<vmem>>, %arg5: memref<16x1xi32, #tpu.memory_space<vmem>>, %arg6: memref<2x128x64x128xf32, #tpu.memory_space<vmem>>, %arg7: memref<2x2x!tpu.dma_semaphore, #tpu.memory_space<semaphore_mem>>, %arg8: memref<16x1xf32, #tpu.memory_space<vmem>>, %arg9: memref<16x1xi32, #tpu.memory_space<vmem>>) attributes {dimension_semantics = [#tpu.dimension_semantics<arbitrary>], iteration_bounds = array<i64: 4>, scalar_prefetch = 0 : i64, scratch_operands = 4 : i64, tpu.core_type = #tpu.core_type<tc>, window_params = [{pipeline_mode = #tpu.pipeline_mode<synchronous>, transform_indices = @transform_0, window_bounds = array<i64: 16, 64, 128>}, {pipeline_mode = #tpu.pipeline_mode<synchronous>, transform_indices = @transform_1, window_bounds = array<i64: 16, 128>}, {}, {transform_indices = @transform_3, window_bounds = array<i64: 16, 128>}, {pipeline_mode = #tpu.pipeline_mode<synchronous>, transform_indices = @transform_4, window_bounds = array<i64: 16, 1>}]} {
    %rem3A = arith.constant 2 : i32
    %rem3A_0 = arith.remsi %arg0, %rem3A : i32
    %add3A = arith.constant 1 : i32
    %add3A_1 = arith.addi %arg0, %add3A : i32
    %rem3A_2 = arith.constant 2 : i32
    %rem3A_3 = arith.remsi %add3A_1, %rem3A_2 : i32
    %eq3A = arith.constant 0 : i32
    %eq3A_4 = arith.cmpi eq, %arg0, %eq3A : i32
    %convert_element_type3A = arith.extui %eq3A_4 : i1 to i32
    %cond3A = arith.constant 0 : i32
    %cond3A_5 = arith.cmpi ne, %convert_element_type3A, %cond3A : i32
    scf.if %cond3A_5 {
      %dma_start3A = arith.constant 0 : i32
      %dma_start3A_298 = arith.constant 0 : i32
      %dma_start3A_299 = arith.constant 0 : i32
      %dma_start3A_300 = tpu.memref_slice %arg7[%dma_start3A_298, %dma_start3A_299] : memref<2x2x!tpu.dma_semaphore, #tpu.memory_space<semaphore_mem>> -> memref<1x1x!tpu.dma_semaphore, #tpu.memory_space<semaphore_mem>>
      %dma_start3A_301 = tpu.memref_squeeze %dma_start3A_300 : memref<1x1x!tpu.dma_semaphore, #tpu.memory_space<semaphore_mem>> -> memref<!tpu.dma_semaphore, #tpu.memory_space<semaphore_mem>>
      %dma_start3A_302 = arith.constant 0 : i32
      %dma_start3A_303 = arith.constant 0 : i32
      %dma_start3A_304 = arith.constant 0 : i32
      %dma_start3A_305 = tpu.memref_slice %arg6[%dma_start3A, %dma_start3A_302, %dma_start3A_303, %dma_start3A_304] : memref<2x128x64x128xf32, #tpu.memory_space<vmem>> -> memref<1x64x64x128xf32, #tpu.memory_space<vmem>>
      %dma_start3A_306 = tpu.memref_squeeze %dma_start3A_305 : memref<1x64x64x128xf32, #tpu.memory_space<vmem>> -> memref<64x64x128xf32, #tpu.memory_space<vmem>>
      %dma_start3A_307 = arith.constant 0 : i32
      %dma_start3A_308 = arith.constant 0 : i32
      %dma_start3A_309 = arith.constant 0 : i32
      %dma_start3A_310 = tpu.memref_slice %arg3[%dma_start3A_307, %dma_start3A_308, %dma_start3A_309] : memref<512x64x128xf32, #tpu.memory_space<hbm>> -> memref<64x64x128xf32, #tpu.memory_space<hbm>>
      tpu.enqueue_dma source(%dma_start3A_310 : memref<64x64x128xf32, #tpu.memory_space<hbm>>) target(%dma_start3A_306 : memref<64x64x128xf32, #tpu.memory_space<vmem>>) target_semaphore(%dma_start3A_301 : memref<!tpu.dma_semaphore, #tpu.memory_space<semaphore_mem>>)
      %dma_start3A_311 = arith.constant 0 : i32
      %dma_start3A_312 = arith.constant 0 : i32
      %dma_start3A_313 = arith.constant 1 : i32
      %dma_start3A_314 = tpu.memref_slice %arg7[%dma_start3A_312, %dma_start3A_313] : memref<2x2x!tpu.dma_semaphore, #tpu.memory_space<semaphore_mem>> -> memref<1x1x!tpu.dma_semaphore, #tpu.memory_space<semaphore_mem>>
      %dma_start3A_315 = tpu.memref_squeeze %dma_start3A_314 : memref<1x1x!tpu.dma_semaphore, #tpu.memory_space<semaphore_mem>> -> memref<!tpu.dma_semaphore, #tpu.memory_space<semaphore_mem>>
      %dma_start3A_316 = arith.constant 64 : i32
      %dma_start3A_317 = arith.constant 0 : i32
      %dma_start3A_318 = arith.constant 0 : i32
      %dma_start3A_319 = tpu.memref_slice %arg6[%dma_start3A_311, %dma_start3A_316, %dma_start3A_317, %dma_start3A_318] : memref<2x128x64x128xf32, #tpu.memory_space<vmem>> -> memref<1x64x64x128xf32, #tpu.memory_space<vmem>>
      %dma_start3A_320 = tpu.memref_squeeze %dma_start3A_319 : memref<1x64x64x128xf32, #tpu.memory_space<vmem>> -> memref<64x64x128xf32, #tpu.memory_space<vmem>>
      %dma_start3A_321 = arith.constant 64 : i32
      %dma_start3A_322 = arith.constant 0 : i32
      %dma_start3A_323 = arith.constant 0 : i32
      %dma_start3A_324 = tpu.memref_slice %arg3[%dma_start3A_321, %dma_start3A_322, %dma_start3A_323] : memref<512x64x128xf32, #tpu.memory_space<hbm>> -> memref<64x64x128xf32, #tpu.memory_space<hbm>>
      tpu.enqueue_dma source(%dma_start3A_324 : memref<64x64x128xf32, #tpu.memory_space<hbm>>) target(%dma_start3A_320 : memref<64x64x128xf32, #tpu.memory_space<vmem>>) target_semaphore(%dma_start3A_315 : memref<!tpu.dma_semaphore, #tpu.memory_space<semaphore_mem>>)
    } else {
    }
    %add3A_6 = arith.constant 1 : i32
    %add3A_7 = arith.addi %arg0, %add3A_6 : i32
    %lt3A = arith.constant 4 : i32
    %lt3A_8 = arith.cmpi slt, %add3A_7, %lt3A : i32
    %convert_element_type3A_9 = arith.extui %lt3A_8 : i1 to i32
    %cond3A_10 = arith.constant 0 : i32
    %cond3A_11 = arith.cmpi ne, %convert_element_type3A_9, %cond3A_10 : i32
    scf.if %cond3A_11 {
      %add3A_298 = arith.constant 1 : i32
      %add3A_299 = arith.addi %arg0, %add3A_298 : i32
      %mul3A_300 = arith.constant 128 : i32
      %mul3A_301 = arith.muli %add3A_299, %mul3A_300 : i32
      %dma_start3A = arith.constant 0 : i32
      %dma_start3A_302 = tpu.memref_slice %arg7[%rem3A_3, %dma_start3A] : memref<2x2x!tpu.dma_semaphore, #tpu.memory_space<semaphore_mem>> -> memref<1x1x!tpu.dma_semaphore, #tpu.memory_space<semaphore_mem>>
      %dma_start3A_303 = tpu.memref_squeeze %dma_start3A_302 : memref<1x1x!tpu.dma_semaphore, #tpu.memory_space<semaphore_mem>> -> memref<!tpu.dma_semaphore, #tpu.memory_space<semaphore_mem>>
      %dma_start3A_304 = arith.constant 0 : i32
      %dma_start3A_305 = arith.constant 0 : i32
      %dma_start3A_306 = arith.constant 0 : i32
      %dma_start3A_307 = tpu.memref_slice %arg6[%rem3A_3, %dma_start3A_304, %dma_start3A_305, %dma_start3A_306] : memref<2x128x64x128xf32, #tpu.memory_space<vmem>> -> memref<1x64x64x128xf32, #tpu.memory_space<vmem>>
      %dma_start3A_308 = tpu.memref_squeeze %dma_start3A_307 : memref<1x64x64x128xf32, #tpu.memory_space<vmem>> -> memref<64x64x128xf32, #tpu.memory_space<vmem>>
      %dma_start3A_309 = arith.constant 0 : i32
      %dma_start3A_310 = arith.constant 0 : i32
      %dma_start3A_311 = tpu.memref_slice %arg3[%mul3A_301, %dma_start3A_309, %dma_start3A_310] : memref<512x64x128xf32, #tpu.memory_space<hbm>> -> memref<64x64x128xf32, #tpu.memory_space<hbm>>
      tpu.enqueue_dma source(%dma_start3A_311 : memref<64x64x128xf32, #tpu.memory_space<hbm>>) target(%dma_start3A_308 : memref<64x64x128xf32, #tpu.memory_space<vmem>>) target_semaphore(%dma_start3A_303 : memref<!tpu.dma_semaphore, #tpu.memory_space<semaphore_mem>>)
      %mul3A_312 = arith.constant 128 : i32
      %mul3A_313 = arith.muli %add3A_299, %mul3A_312 : i32
      %add3A_314 = arith.constant 64 : i32
      %add3A_315 = arith.addi %mul3A_313, %add3A_314 : i32
      %dma_start3A_316 = arith.constant 1 : i32
      %dma_start3A_317 = tpu.memref_slice %arg7[%rem3A_3, %dma_start3A_316] : memref<2x2x!tpu.dma_semaphore, #tpu.memory_space<semaphore_mem>> -> memref<1x1x!tpu.dma_semaphore, #tpu.memory_space<semaphore_mem>>
      %dma_start3A_318 = tpu.memref_squeeze %dma_start3A_317 : memref<1x1x!tpu.dma_semaphore, #tpu.memory_space<semaphore_mem>> -> memref<!tpu.dma_semaphore, #tpu.memory_space<semaphore_mem>>
      %dma_start3A_319 = arith.constant 64 : i32
      %dma_start3A_320 = arith.constant 0 : i32
      %dma_start3A_321 = arith.constant 0 : i32
      %dma_start3A_322 = tpu.memref_slice %arg6[%rem3A_3, %dma_start3A_319, %dma_start3A_320, %dma_start3A_321] : memref<2x128x64x128xf32, #tpu.memory_space<vmem>> -> memref<1x64x64x128xf32, #tpu.memory_space<vmem>>
      %dma_start3A_323 = tpu.memref_squeeze %dma_start3A_322 : memref<1x64x64x128xf32, #tpu.memory_space<vmem>> -> memref<64x64x128xf32, #tpu.memory_space<vmem>>
      %dma_start3A_324 = arith.constant 0 : i32
      %dma_start3A_325 = arith.constant 0 : i32
      %dma_start3A_326 = tpu.memref_slice %arg3[%add3A_315, %dma_start3A_324, %dma_start3A_325] : memref<512x64x128xf32, #tpu.memory_space<hbm>> -> memref<64x64x128xf32, #tpu.memory_space<hbm>>
      tpu.enqueue_dma source(%dma_start3A_326 : memref<64x64x128xf32, #tpu.memory_space<hbm>>) target(%dma_start3A_323 : memref<64x64x128xf32, #tpu.memory_space<vmem>>) target_semaphore(%dma_start3A_318 : memref<!tpu.dma_semaphore, #tpu.memory_space<semaphore_mem>>)
    } else {
    }
    %mul3A = arith.constant 128 : i32
    %mul3A_12 = arith.muli %arg0, %mul3A : i32
    %dma_wait3A = arith.constant 0 : i32
    %dma_wait3A_13 = tpu.memref_slice %arg7[%rem3A_0, %dma_wait3A] : memref<2x2x!tpu.dma_semaphore, #tpu.memory_space<semaphore_mem>> -> memref<1x1x!tpu.dma_semaphore, #tpu.memory_space<semaphore_mem>>
    %dma_wait3A_14 = tpu.memref_squeeze %dma_wait3A_13 : memref<1x1x!tpu.dma_semaphore, #tpu.memory_space<semaphore_mem>> -> memref<!tpu.dma_semaphore, #tpu.memory_space<semaphore_mem>>
    %dma_wait3A_15 = arith.constant 0 : i32
    %dma_wait3A_16 = arith.constant 0 : i32
    %dma_wait3A_17 = arith.constant 0 : i32
    %dma_wait3A_18 = tpu.memref_slice %arg6[%rem3A_0, %dma_wait3A_15, %dma_wait3A_16, %dma_wait3A_17] : memref<2x128x64x128xf32, #tpu.memory_space<vmem>> -> memref<1x64x64x128xf32, #tpu.memory_space<vmem>>
    %dma_wait3A_19 = tpu.memref_squeeze %dma_wait3A_18 : memref<1x64x64x128xf32, #tpu.memory_space<vmem>> -> memref<64x64x128xf32, #tpu.memory_space<vmem>>
    %dma_wait3A_20 = arith.constant 0 : i32
    %dma_wait3A_21 = arith.constant 0 : i32
    %dma_wait3A_22 = tpu.memref_slice %arg3[%mul3A_12, %dma_wait3A_20, %dma_wait3A_21] : memref<512x64x128xf32, #tpu.memory_space<hbm>> -> memref<64x64x128xf32, #tpu.memory_space<hbm>>
    tpu.wait_dma2 semaphore(%dma_wait3A_14 : memref<!tpu.dma_semaphore, #tpu.memory_space<semaphore_mem>>) src(%dma_wait3A_22 : memref<64x64x128xf32, #tpu.memory_space<hbm>>) dst(%dma_wait3A_19 : memref<64x64x128xf32, #tpu.memory_space<vmem>>)
    %mul3A_23 = arith.constant 128 : i32
    %mul3A_24 = arith.muli %arg0, %mul3A_23 : i32
    %add3A_25 = arith.constant 64 : i32
    %add3A_26 = arith.addi %mul3A_24, %add3A_25 : i32
    %dma_wait3A_27 = arith.constant 1 : i32
    %dma_wait3A_28 = tpu.memref_slice %arg7[%rem3A_0, %dma_wait3A_27] : memref<2x2x!tpu.dma_semaphore, #tpu.memory_space<semaphore_mem>> -> memref<1x1x!tpu.dma_semaphore, #tpu.memory_space<semaphore_mem>>
    %dma_wait3A_29 = tpu.memref_squeeze %dma_wait3A_28 : memref<1x1x!tpu.dma_semaphore, #tpu.memory_space<semaphore_mem>> -> memref<!tpu.dma_semaphore, #tpu.memory_space<semaphore_mem>>
    %dma_wait3A_30 = arith.constant 64 : i32
    %dma_wait3A_31 = arith.constant 0 : i32
    %dma_wait3A_32 = arith.constant 0 : i32
    %dma_wait3A_33 = tpu.memref_slice %arg6[%rem3A_0, %dma_wait3A_30, %dma_wait3A_31, %dma_wait3A_32] : memref<2x128x64x128xf32, #tpu.memory_space<vmem>> -> memref<1x64x64x128xf32, #tpu.memory_space<vmem>>
    %dma_wait3A_34 = tpu.memref_squeeze %dma_wait3A_33 : memref<1x64x64x128xf32, #tpu.memory_space<vmem>> -> memref<64x64x128xf32, #tpu.memory_space<vmem>>
    %dma_wait3A_35 = arith.constant 0 : i32
    %dma_wait3A_36 = arith.constant 0 : i32
    %dma_wait3A_37 = tpu.memref_slice %arg3[%add3A_26, %dma_wait3A_35, %dma_wait3A_36] : memref<512x64x128xf32, #tpu.memory_space<hbm>> -> memref<64x64x128xf32, #tpu.memory_space<hbm>>
    tpu.wait_dma2 semaphore(%dma_wait3A_29 : memref<!tpu.dma_semaphore, #tpu.memory_space<semaphore_mem>>) src(%dma_wait3A_37 : memref<64x64x128xf32, #tpu.memory_space<hbm>>) dst(%dma_wait3A_34 : memref<64x64x128xf32, #tpu.memory_space<vmem>>)
    %get3A = arith.constant 0 : index
    %get3A_38 = arith.constant 0 : index
    %get3A_39 = arith.constant 0 : index
    %get3A_40 = vector.load %arg1[%get3A, %get3A_38, %get3A_39] : memref<16x64x128xf32, #tpu.memory_space<vmem>>, vector<16x64x128xf32>
    %reshape3A = vector.shape_cast %get3A_40 : vector<16x64x128xf32> to vector<16x8192xf32>
    %get3A_41 = arith.constant 0 : index
    %get3A_42 = arith.constant 0 : index
    %get3A_43 = vector.load %arg2[%get3A_41, %get3A_42] : memref<16x128xf32, #tpu.memory_space<vmem>>, vector<16x128xf32>
    %tile3A = tpu.concatenate %get3A_43, %get3A_43, %get3A_43, %get3A_43, %get3A_43, %get3A_43, %get3A_43, %get3A_43, %get3A_43, %get3A_43, %get3A_43, %get3A_43, %get3A_43, %get3A_43, %get3A_43, %get3A_43, %get3A_43, %get3A_43, %get3A_43, %get3A_43, %get3A_43, %get3A_43, %get3A_43, %get3A_43, %get3A_43, %get3A_43, %get3A_43, %get3A_43, %get3A_43, %get3A_43, %get3A_43, %get3A_43, %get3A_43, %get3A_43, %get3A_43, %get3A_43, %get3A_43, %get3A_43, %get3A_43, %get3A_43, %get3A_43, %get3A_43, %get3A_43, %get3A_43, %get3A_43, %get3A_43, %get3A_43, %get3A_43, %get3A_43, %get3A_43, %get3A_43, %get3A_43, %get3A_43, %get3A_43, %get3A_43, %get3A_43, %get3A_43, %get3A_43, %get3A_43, %get3A_43, %get3A_43, %get3A_43, %get3A_43, %get3A_43 in 1 : vector<16x128xf32>, vector<16x128xf32>, vector<16x128xf32>, vector<16x128xf32>, vector<16x128xf32>, vector<16x128xf32>, vector<16x128xf32>, vector<16x128xf32>, vector<16x128xf32>, vector<16x128xf32>, vector<16x128xf32>, vector<16x128xf32>, vector<16x128xf32>, vector<16x128xf32>, vector<16x128xf32>, vector<16x128xf32>, vector<16x128xf32>, vector<16x128xf32>, vector<16x128xf32>, vector<16x128xf32>, vector<16x128xf32>, vector<16x128xf32>, vector<16x128xf32>, vector<16x128xf32>, vector<16x128xf32>, vector<16x128xf32>, vector<16x128xf32>, vector<16x128xf32>, vector<16x128xf32>, vector<16x128xf32>, vector<16x128xf32>, vector<16x128xf32>, vector<16x128xf32>, vector<16x128xf32>, vector<16x128xf32>, vector<16x128xf32>, vector<16x128xf32>, vector<16x128xf32>, vector<16x128xf32>, vector<16x128xf32>, vector<16x128xf32>, vector<16x128xf32>, vector<16x128xf32>, vector<16x128xf32>, vector<16x128xf32>, vector<16x128xf32>, vector<16x128xf32>, vector<16x128xf32>, vector<16x128xf32>, vector<16x128xf32>, vector<16x128xf32>, vector<16x128xf32>, vector<16x128xf32>, vector<16x128xf32>, vector<16x128xf32>, vector<16x128xf32>, vector<16x128xf32>, vector<16x128xf32>, vector<16x128xf32>, vector<16x128xf32>, vector<16x128xf32>, vector<16x128xf32>, vector<16x128xf32>, vector<16x128xf32> -> vector<16x8192xf32>
    %get3A_44 = arith.index_cast %rem3A_0 : i32 to index
    %get3A_45 = arith.constant 0 : index
    %get3A_46 = arith.constant 0 : index
    %get3A_47 = arith.constant 0 : index
    %get3A_48 = vector.load %arg6[%get3A_44, %get3A_45, %get3A_46, %get3A_47] : memref<2x128x64x128xf32, #tpu.memory_space<vmem>>, vector<1x128x64x128xf32>
    %get3A_49 = vector.shape_cast %get3A_48 : vector<1x128x64x128xf32> to vector<128x64x128xf32>
    %reshape3A_50 = vector.shape_cast %get3A_49 : vector<128x64x128xf32> to vector<128x8192xf32>
    %mul3A_51 = arith.mulf %reshape3A, %tile3A : vector<16x8192xf32>
    %convert_element_type3A_52 = arith.truncf %reshape3A_50 : vector<128x8192xf32> to vector<128x8192xbf16>
    %convert_element_type3A_53 = arith.extf %convert_element_type3A_52 : vector<128x8192xbf16> to vector<128x8192xf32>
    %sub3A = arith.subf %reshape3A_50, %convert_element_type3A_53 : vector<128x8192xf32>
    %convert_element_type3A_54 = arith.truncf %sub3A : vector<128x8192xf32> to vector<128x8192xbf16>
    %convert_element_type3A_55 = arith.truncf %mul3A_51 : vector<16x8192xf32> to vector<16x8192xbf16>
    %convert_element_type3A_56 = arith.extf %convert_element_type3A_55 : vector<16x8192xbf16> to vector<16x8192xf32>
    %sub3A_57 = arith.subf %mul3A_51, %convert_element_type3A_56 : vector<16x8192xf32>
    %convert_element_type3A_58 = arith.truncf %sub3A_57 : vector<16x8192xf32> to vector<16x8192xbf16>
    %dot_general3A = arith.constant dense<0.000000e+00> : vector<16x128xf32>
    %dot_general3A_59 = tpu.matmul %convert_element_type3A_55, %convert_element_type3A_52, %dot_general3A {dimension_numbers = #tpu.dot_dimension_numbers<[1], [1], [0], [0], [0, 0, 1, 0], [], []>, transpose_lhs_hint = false} : vector<16x8192xbf16>, vector<128x8192xbf16>, vector<16x128xf32> -> vector<16x128xf32>
    %dot_general3A_60 = arith.constant dense<0.000000e+00> : vector<16x128xf32>
    %dot_general3A_61 = tpu.matmul %convert_element_type3A_55, %convert_element_type3A_54, %dot_general3A_60 {dimension_numbers = #tpu.dot_dimension_numbers<[1], [1], [0], [0], [0, 0, 1, 0], [], []>, transpose_lhs_hint = false} : vector<16x8192xbf16>, vector<128x8192xbf16>, vector<16x128xf32> -> vector<16x128xf32>
    %dot_general3A_62 = arith.constant dense<0.000000e+00> : vector<16x128xf32>
    %dot_general3A_63 = tpu.matmul %convert_element_type3A_58, %convert_element_type3A_52, %dot_general3A_62 {dimension_numbers = #tpu.dot_dimension_numbers<[1], [1], [0], [0], [0, 0, 1, 0], [], []>, transpose_lhs_hint = false} : vector<16x8192xbf16>, vector<128x8192xbf16>, vector<16x128xf32> -> vector<16x128xf32>
    %add3A_64 = arith.addf %dot_general3A_61, %dot_general3A_63 : vector<16x128xf32>
    %add3A_65 = arith.addf %dot_general3A_59, %add3A_64 : vector<16x128xf32>
    %slice3A = vector.extract_strided_slice %reshape3A_50 {offsets = [0, 0], sizes = [128, 128], strides = [1, 1]} : vector<128x8192xf32> to vector<128x128xf32>
    %slice3A_66 = vector.extract_strided_slice %reshape3A_50 {offsets = [0, 0], sizes = [128, 128], strides = [1, 1]} : vector<128x8192xf32> to vector<128x128xf32>
    %mul3A_67 = arith.mulf %slice3A, %slice3A_66 : vector<128x128xf32>
    %slice3A_68 = vector.extract_strided_slice %reshape3A_50 {offsets = [0, 128], sizes = [128, 128], strides = [1, 1]} : vector<128x8192xf32> to vector<128x128xf32>
    %mul3A_69 = arith.mulf %slice3A_68, %slice3A_68 : vector<128x128xf32>
    %add3A_70 = arith.addf %mul3A_67, %mul3A_69 : vector<128x128xf32>
    %slice3A_71 = vector.extract_strided_slice %reshape3A_50 {offsets = [0, 256], sizes = [128, 128], strides = [1, 1]} : vector<128x8192xf32> to vector<128x128xf32>
    %mul3A_72 = arith.mulf %slice3A_71, %slice3A_71 : vector<128x128xf32>
    %add3A_73 = arith.addf %add3A_70, %mul3A_72 : vector<128x128xf32>
    %slice3A_74 = vector.extract_strided_slice %reshape3A_50 {offsets = [0, 384], sizes = [128, 128], strides = [1, 1]} : vector<128x8192xf32> to vector<128x128xf32>
    %mul3A_75 = arith.mulf %slice3A_74, %slice3A_74 : vector<128x128xf32>
    %add3A_76 = arith.addf %add3A_73, %mul3A_75 : vector<128x128xf32>
    %slice3A_77 = vector.extract_strided_slice %reshape3A_50 {offsets = [0, 512], sizes = [128, 128], strides = [1, 1]} : vector<128x8192xf32> to vector<128x128xf32>
    %mul3A_78 = arith.mulf %slice3A_77, %slice3A_77 : vector<128x128xf32>
    %add3A_79 = arith.addf %add3A_76, %mul3A_78 : vector<128x128xf32>
    %slice3A_80 = vector.extract_strided_slice %reshape3A_50 {offsets = [0, 640], sizes = [128, 128], strides = [1, 1]} : vector<128x8192xf32> to vector<128x128xf32>
    %mul3A_81 = arith.mulf %slice3A_80, %slice3A_80 : vector<128x128xf32>
    %add3A_82 = arith.addf %add3A_79, %mul3A_81 : vector<128x128xf32>
    %slice3A_83 = vector.extract_strided_slice %reshape3A_50 {offsets = [0, 768], sizes = [128, 128], strides = [1, 1]} : vector<128x8192xf32> to vector<128x128xf32>
    %mul3A_84 = arith.mulf %slice3A_83, %slice3A_83 : vector<128x128xf32>
    %add3A_85 = arith.addf %add3A_82, %mul3A_84 : vector<128x128xf32>
    %slice3A_86 = vector.extract_strided_slice %reshape3A_50 {offsets = [0, 896], sizes = [128, 128], strides = [1, 1]} : vector<128x8192xf32> to vector<128x128xf32>
    %mul3A_87 = arith.mulf %slice3A_86, %slice3A_86 : vector<128x128xf32>
    %add3A_88 = arith.addf %add3A_85, %mul3A_87 : vector<128x128xf32>
    %slice3A_89 = vector.extract_strided_slice %reshape3A_50 {offsets = [0, 1024], sizes = [128, 128], strides = [1, 1]} : vector<128x8192xf32> to vector<128x128xf32>
    %mul3A_90 = arith.mulf %slice3A_89, %slice3A_89 : vector<128x128xf32>
    %add3A_91 = arith.addf %add3A_88, %mul3A_90 : vector<128x128xf32>
    %slice3A_92 = vector.extract_strided_slice %reshape3A_50 {offsets = [0, 1152], sizes = [128, 128], strides = [1, 1]} : vector<128x8192xf32> to vector<128x128xf32>
    %mul3A_93 = arith.mulf %slice3A_92, %slice3A_92 : vector<128x128xf32>
    %add3A_94 = arith.addf %add3A_91, %mul3A_93 : vector<128x128xf32>
    %slice3A_95 = vector.extract_strided_slice %reshape3A_50 {offsets = [0, 1280], sizes = [128, 128], strides = [1, 1]} : vector<128x8192xf32> to vector<128x128xf32>
    %mul3A_96 = arith.mulf %slice3A_95, %slice3A_95 : vector<128x128xf32>
    %add3A_97 = arith.addf %add3A_94, %mul3A_96 : vector<128x128xf32>
    %slice3A_98 = vector.extract_strided_slice %reshape3A_50 {offsets = [0, 1408], sizes = [128, 128], strides = [1, 1]} : vector<128x8192xf32> to vector<128x128xf32>
    %mul3A_99 = arith.mulf %slice3A_98, %slice3A_98 : vector<128x128xf32>
    %add3A_100 = arith.addf %add3A_97, %mul3A_99 : vector<128x128xf32>
    %slice3A_101 = vector.extract_strided_slice %reshape3A_50 {offsets = [0, 1536], sizes = [128, 128], strides = [1, 1]} : vector<128x8192xf32> to vector<128x128xf32>
    %mul3A_102 = arith.mulf %slice3A_101, %slice3A_101 : vector<128x128xf32>
    %add3A_103 = arith.addf %add3A_100, %mul3A_102 : vector<128x128xf32>
    %slice3A_104 = vector.extract_strided_slice %reshape3A_50 {offsets = [0, 1664], sizes = [128, 128], strides = [1, 1]} : vector<128x8192xf32> to vector<128x128xf32>
    %mul3A_105 = arith.mulf %slice3A_104, %slice3A_104 : vector<128x128xf32>
    %add3A_106 = arith.addf %add3A_103, %mul3A_105 : vector<128x128xf32>
    %slice3A_107 = vector.extract_strided_slice %reshape3A_50 {offsets = [0, 1792], sizes = [128, 128], strides = [1, 1]} : vector<128x8192xf32> to vector<128x128xf32>
    %mul3A_108 = arith.mulf %slice3A_107, %slice3A_107 : vector<128x128xf32>
    %add3A_109 = arith.addf %add3A_106, %mul3A_108 : vector<128x128xf32>
    %slice3A_110 = vector.extract_strided_slice %reshape3A_50 {offsets = [0, 1920], sizes = [128, 128], strides = [1, 1]} : vector<128x8192xf32> to vector<128x128xf32>
    %mul3A_111 = arith.mulf %slice3A_110, %slice3A_110 : vector<128x128xf32>
    %add3A_112 = arith.addf %add3A_109, %mul3A_111 : vector<128x128xf32>
    %slice3A_113 = vector.extract_strided_slice %reshape3A_50 {offsets = [0, 2048], sizes = [128, 128], strides = [1, 1]} : vector<128x8192xf32> to vector<128x128xf32>
    %mul3A_114 = arith.mulf %slice3A_113, %slice3A_113 : vector<128x128xf32>
    %add3A_115 = arith.addf %add3A_112, %mul3A_114 : vector<128x128xf32>
    %slice3A_116 = vector.extract_strided_slice %reshape3A_50 {offsets = [0, 2176], sizes = [128, 128], strides = [1, 1]} : vector<128x8192xf32> to vector<128x128xf32>
    %mul3A_117 = arith.mulf %slice3A_116, %slice3A_116 : vector<128x128xf32>
    %add3A_118 = arith.addf %add3A_115, %mul3A_117 : vector<128x128xf32>
    %slice3A_119 = vector.extract_strided_slice %reshape3A_50 {offsets = [0, 2304], sizes = [128, 128], strides = [1, 1]} : vector<128x8192xf32> to vector<128x128xf32>
    %mul3A_120 = arith.mulf %slice3A_119, %slice3A_119 : vector<128x128xf32>
    %add3A_121 = arith.addf %add3A_118, %mul3A_120 : vector<128x128xf32>
    %slice3A_122 = vector.extract_strided_slice %reshape3A_50 {offsets = [0, 2432], sizes = [128, 128], strides = [1, 1]} : vector<128x8192xf32> to vector<128x128xf32>
    %mul3A_123 = arith.mulf %slice3A_122, %slice3A_122 : vector<128x128xf32>
    %add3A_124 = arith.addf %add3A_121, %mul3A_123 : vector<128x128xf32>
    %slice3A_125 = vector.extract_strided_slice %reshape3A_50 {offsets = [0, 2560], sizes = [128, 128], strides = [1, 1]} : vector<128x8192xf32> to vector<128x128xf32>
    %mul3A_126 = arith.mulf %slice3A_125, %slice3A_125 : vector<128x128xf32>
    %add3A_127 = arith.addf %add3A_124, %mul3A_126 : vector<128x128xf32>
    %slice3A_128 = vector.extract_strided_slice %reshape3A_50 {offsets = [0, 2688], sizes = [128, 128], strides = [1, 1]} : vector<128x8192xf32> to vector<128x128xf32>
    %mul3A_129 = arith.mulf %slice3A_128, %slice3A_128 : vector<128x128xf32>
    %add3A_130 = arith.addf %add3A_127, %mul3A_129 : vector<128x128xf32>
    %slice3A_131 = vector.extract_strided_slice %reshape3A_50 {offsets = [0, 2816], sizes = [128, 128], strides = [1, 1]} : vector<128x8192xf32> to vector<128x128xf32>
    %mul3A_132 = arith.mulf %slice3A_131, %slice3A_131 : vector<128x128xf32>
    %add3A_133 = arith.addf %add3A_130, %mul3A_132 : vector<128x128xf32>
    %slice3A_134 = vector.extract_strided_slice %reshape3A_50 {offsets = [0, 2944], sizes = [128, 128], strides = [1, 1]} : vector<128x8192xf32> to vector<128x128xf32>
    %mul3A_135 = arith.mulf %slice3A_134, %slice3A_134 : vector<128x128xf32>
    %add3A_136 = arith.addf %add3A_133, %mul3A_135 : vector<128x128xf32>
    %slice3A_137 = vector.extract_strided_slice %reshape3A_50 {offsets = [0, 3072], sizes = [128, 128], strides = [1, 1]} : vector<128x8192xf32> to vector<128x128xf32>
    %mul3A_138 = arith.mulf %slice3A_137, %slice3A_137 : vector<128x128xf32>
    %add3A_139 = arith.addf %add3A_136, %mul3A_138 : vector<128x128xf32>
    %slice3A_140 = vector.extract_strided_slice %reshape3A_50 {offsets = [0, 3200], sizes = [128, 128], strides = [1, 1]} : vector<128x8192xf32> to vector<128x128xf32>
    %mul3A_141 = arith.mulf %slice3A_140, %slice3A_140 : vector<128x128xf32>
    %add3A_142 = arith.addf %add3A_139, %mul3A_141 : vector<128x128xf32>
    %slice3A_143 = vector.extract_strided_slice %reshape3A_50 {offsets = [0, 3328], sizes = [128, 128], strides = [1, 1]} : vector<128x8192xf32> to vector<128x128xf32>
    %mul3A_144 = arith.mulf %slice3A_143, %slice3A_143 : vector<128x128xf32>
    %add3A_145 = arith.addf %add3A_142, %mul3A_144 : vector<128x128xf32>
    %slice3A_146 = vector.extract_strided_slice %reshape3A_50 {offsets = [0, 3456], sizes = [128, 128], strides = [1, 1]} : vector<128x8192xf32> to vector<128x128xf32>
    %mul3A_147 = arith.mulf %slice3A_146, %slice3A_146 : vector<128x128xf32>
    %add3A_148 = arith.addf %add3A_145, %mul3A_147 : vector<128x128xf32>
    %slice3A_149 = vector.extract_strided_slice %reshape3A_50 {offsets = [0, 3584], sizes = [128, 128], strides = [1, 1]} : vector<128x8192xf32> to vector<128x128xf32>
    %mul3A_150 = arith.mulf %slice3A_149, %slice3A_149 : vector<128x128xf32>
    %add3A_151 = arith.addf %add3A_148, %mul3A_150 : vector<128x128xf32>
    %slice3A_152 = vector.extract_strided_slice %reshape3A_50 {offsets = [0, 3712], sizes = [128, 128], strides = [1, 1]} : vector<128x8192xf32> to vector<128x128xf32>
    %mul3A_153 = arith.mulf %slice3A_152, %slice3A_152 : vector<128x128xf32>
    %add3A_154 = arith.addf %add3A_151, %mul3A_153 : vector<128x128xf32>
    %slice3A_155 = vector.extract_strided_slice %reshape3A_50 {offsets = [0, 3840], sizes = [128, 128], strides = [1, 1]} : vector<128x8192xf32> to vector<128x128xf32>
    %mul3A_156 = arith.mulf %slice3A_155, %slice3A_155 : vector<128x128xf32>
    %add3A_157 = arith.addf %add3A_154, %mul3A_156 : vector<128x128xf32>
    %slice3A_158 = vector.extract_strided_slice %reshape3A_50 {offsets = [0, 3968], sizes = [128, 128], strides = [1, 1]} : vector<128x8192xf32> to vector<128x128xf32>
    %mul3A_159 = arith.mulf %slice3A_158, %slice3A_158 : vector<128x128xf32>
    %add3A_160 = arith.addf %add3A_157, %mul3A_159 : vector<128x128xf32>
    %slice3A_161 = vector.extract_strided_slice %reshape3A_50 {offsets = [0, 4096], sizes = [128, 128], strides = [1, 1]} : vector<128x8192xf32> to vector<128x128xf32>
    %mul3A_162 = arith.mulf %slice3A_161, %slice3A_161 : vector<128x128xf32>
    %add3A_163 = arith.addf %add3A_160, %mul3A_162 : vector<128x128xf32>
    %slice3A_164 = vector.extract_strided_slice %reshape3A_50 {offsets = [0, 4224], sizes = [128, 128], strides = [1, 1]} : vector<128x8192xf32> to vector<128x128xf32>
    %mul3A_165 = arith.mulf %slice3A_164, %slice3A_164 : vector<128x128xf32>
    %add3A_166 = arith.addf %add3A_163, %mul3A_165 : vector<128x128xf32>
    %slice3A_167 = vector.extract_strided_slice %reshape3A_50 {offsets = [0, 4352], sizes = [128, 128], strides = [1, 1]} : vector<128x8192xf32> to vector<128x128xf32>
    %mul3A_168 = arith.mulf %slice3A_167, %slice3A_167 : vector<128x128xf32>
    %add3A_169 = arith.addf %add3A_166, %mul3A_168 : vector<128x128xf32>
    %slice3A_170 = vector.extract_strided_slice %reshape3A_50 {offsets = [0, 4480], sizes = [128, 128], strides = [1, 1]} : vector<128x8192xf32> to vector<128x128xf32>
    %mul3A_171 = arith.mulf %slice3A_170, %slice3A_170 : vector<128x128xf32>
    %add3A_172 = arith.addf %add3A_169, %mul3A_171 : vector<128x128xf32>
    %slice3A_173 = vector.extract_strided_slice %reshape3A_50 {offsets = [0, 4608], sizes = [128, 128], strides = [1, 1]} : vector<128x8192xf32> to vector<128x128xf32>
    %mul3A_174 = arith.mulf %slice3A_173, %slice3A_173 : vector<128x128xf32>
    %add3A_175 = arith.addf %add3A_172, %mul3A_174 : vector<128x128xf32>
    %slice3A_176 = vector.extract_strided_slice %reshape3A_50 {offsets = [0, 4736], sizes = [128, 128], strides = [1, 1]} : vector<128x8192xf32> to vector<128x128xf32>
    %mul3A_177 = arith.mulf %slice3A_176, %slice3A_176 : vector<128x128xf32>
    %add3A_178 = arith.addf %add3A_175, %mul3A_177 : vector<128x128xf32>
    %slice3A_179 = vector.extract_strided_slice %reshape3A_50 {offsets = [0, 4864], sizes = [128, 128], strides = [1, 1]} : vector<128x8192xf32> to vector<128x128xf32>
    %mul3A_180 = arith.mulf %slice3A_179, %slice3A_179 : vector<128x128xf32>
    %add3A_181 = arith.addf %add3A_178, %mul3A_180 : vector<128x128xf32>
    %slice3A_182 = vector.extract_strided_slice %reshape3A_50 {offsets = [0, 4992], sizes = [128, 128], strides = [1, 1]} : vector<128x8192xf32> to vector<128x128xf32>
    %mul3A_183 = arith.mulf %slice3A_182, %slice3A_182 : vector<128x128xf32>
    %add3A_184 = arith.addf %add3A_181, %mul3A_183 : vector<128x128xf32>
    %slice3A_185 = vector.extract_strided_slice %reshape3A_50 {offsets = [0, 5120], sizes = [128, 128], strides = [1, 1]} : vector<128x8192xf32> to vector<128x128xf32>
    %mul3A_186 = arith.mulf %slice3A_185, %slice3A_185 : vector<128x128xf32>
    %add3A_187 = arith.addf %add3A_184, %mul3A_186 : vector<128x128xf32>
    %slice3A_188 = vector.extract_strided_slice %reshape3A_50 {offsets = [0, 5248], sizes = [128, 128], strides = [1, 1]} : vector<128x8192xf32> to vector<128x128xf32>
    %mul3A_189 = arith.mulf %slice3A_188, %slice3A_188 : vector<128x128xf32>
    %add3A_190 = arith.addf %add3A_187, %mul3A_189 : vector<128x128xf32>
    %slice3A_191 = vector.extract_strided_slice %reshape3A_50 {offsets = [0, 5376], sizes = [128, 128], strides = [1, 1]} : vector<128x8192xf32> to vector<128x128xf32>
    %mul3A_192 = arith.mulf %slice3A_191, %slice3A_191 : vector<128x128xf32>
    %add3A_193 = arith.addf %add3A_190, %mul3A_192 : vector<128x128xf32>
    %slice3A_194 = vector.extract_strided_slice %reshape3A_50 {offsets = [0, 5504], sizes = [128, 128], strides = [1, 1]} : vector<128x8192xf32> to vector<128x128xf32>
    %mul3A_195 = arith.mulf %slice3A_194, %slice3A_194 : vector<128x128xf32>
    %add3A_196 = arith.addf %add3A_193, %mul3A_195 : vector<128x128xf32>
    %slice3A_197 = vector.extract_strided_slice %reshape3A_50 {offsets = [0, 5632], sizes = [128, 128], strides = [1, 1]} : vector<128x8192xf32> to vector<128x128xf32>
    %mul3A_198 = arith.mulf %slice3A_197, %slice3A_197 : vector<128x128xf32>
    %add3A_199 = arith.addf %add3A_196, %mul3A_198 : vector<128x128xf32>
    %slice3A_200 = vector.extract_strided_slice %reshape3A_50 {offsets = [0, 5760], sizes = [128, 128], strides = [1, 1]} : vector<128x8192xf32> to vector<128x128xf32>
    %mul3A_201 = arith.mulf %slice3A_200, %slice3A_200 : vector<128x128xf32>
    %add3A_202 = arith.addf %add3A_199, %mul3A_201 : vector<128x128xf32>
    %slice3A_203 = vector.extract_strided_slice %reshape3A_50 {offsets = [0, 5888], sizes = [128, 128], strides = [1, 1]} : vector<128x8192xf32> to vector<128x128xf32>
    %mul3A_204 = arith.mulf %slice3A_203, %slice3A_203 : vector<128x128xf32>
    %add3A_205 = arith.addf %add3A_202, %mul3A_204 : vector<128x128xf32>
    %slice3A_206 = vector.extract_strided_slice %reshape3A_50 {offsets = [0, 6016], sizes = [128, 128], strides = [1, 1]} : vector<128x8192xf32> to vector<128x128xf32>
    %mul3A_207 = arith.mulf %slice3A_206, %slice3A_206 : vector<128x128xf32>
    %add3A_208 = arith.addf %add3A_205, %mul3A_207 : vector<128x128xf32>
    %slice3A_209 = vector.extract_strided_slice %reshape3A_50 {offsets = [0, 6144], sizes = [128, 128], strides = [1, 1]} : vector<128x8192xf32> to vector<128x128xf32>
    %mul3A_210 = arith.mulf %slice3A_209, %slice3A_209 : vector<128x128xf32>
    %add3A_211 = arith.addf %add3A_208, %mul3A_210 : vector<128x128xf32>
    %slice3A_212 = vector.extract_strided_slice %reshape3A_50 {offsets = [0, 6272], sizes = [128, 128], strides = [1, 1]} : vector<128x8192xf32> to vector<128x128xf32>
    %mul3A_213 = arith.mulf %slice3A_212, %slice3A_212 : vector<128x128xf32>
    %add3A_214 = arith.addf %add3A_211, %mul3A_213 : vector<128x128xf32>
    %slice3A_215 = vector.extract_strided_slice %reshape3A_50 {offsets = [0, 6400], sizes = [128, 128], strides = [1, 1]} : vector<128x8192xf32> to vector<128x128xf32>
    %mul3A_216 = arith.mulf %slice3A_215, %slice3A_215 : vector<128x128xf32>
    %add3A_217 = arith.addf %add3A_214, %mul3A_216 : vector<128x128xf32>
    %slice3A_218 = vector.extract_strided_slice %reshape3A_50 {offsets = [0, 6528], sizes = [128, 128], strides = [1, 1]} : vector<128x8192xf32> to vector<128x128xf32>
    %mul3A_219 = arith.mulf %slice3A_218, %slice3A_218 : vector<128x128xf32>
    %add3A_220 = arith.addf %add3A_217, %mul3A_219 : vector<128x128xf32>
    %slice3A_221 = vector.extract_strided_slice %reshape3A_50 {offsets = [0, 6656], sizes = [128, 128], strides = [1, 1]} : vector<128x8192xf32> to vector<128x128xf32>
    %mul3A_222 = arith.mulf %slice3A_221, %slice3A_221 : vector<128x128xf32>
    %add3A_223 = arith.addf %add3A_220, %mul3A_222 : vector<128x128xf32>
    %slice3A_224 = vector.extract_strided_slice %reshape3A_50 {offsets = [0, 6784], sizes = [128, 128], strides = [1, 1]} : vector<128x8192xf32> to vector<128x128xf32>
    %mul3A_225 = arith.mulf %slice3A_224, %slice3A_224 : vector<128x128xf32>
    %add3A_226 = arith.addf %add3A_223, %mul3A_225 : vector<128x128xf32>
    %slice3A_227 = vector.extract_strided_slice %reshape3A_50 {offsets = [0, 6912], sizes = [128, 128], strides = [1, 1]} : vector<128x8192xf32> to vector<128x128xf32>
    %mul3A_228 = arith.mulf %slice3A_227, %slice3A_227 : vector<128x128xf32>
    %add3A_229 = arith.addf %add3A_226, %mul3A_228 : vector<128x128xf32>
    %slice3A_230 = vector.extract_strided_slice %reshape3A_50 {offsets = [0, 7040], sizes = [128, 128], strides = [1, 1]} : vector<128x8192xf32> to vector<128x128xf32>
    %mul3A_231 = arith.mulf %slice3A_230, %slice3A_230 : vector<128x128xf32>
    %add3A_232 = arith.addf %add3A_229, %mul3A_231 : vector<128x128xf32>
    %slice3A_233 = vector.extract_strided_slice %reshape3A_50 {offsets = [0, 7168], sizes = [128, 128], strides = [1, 1]} : vector<128x8192xf32> to vector<128x128xf32>
    %mul3A_234 = arith.mulf %slice3A_233, %slice3A_233 : vector<128x128xf32>
    %add3A_235 = arith.addf %add3A_232, %mul3A_234 : vector<128x128xf32>
    %slice3A_236 = vector.extract_strided_slice %reshape3A_50 {offsets = [0, 7296], sizes = [128, 128], strides = [1, 1]} : vector<128x8192xf32> to vector<128x128xf32>
    %mul3A_237 = arith.mulf %slice3A_236, %slice3A_236 : vector<128x128xf32>
    %add3A_238 = arith.addf %add3A_235, %mul3A_237 : vector<128x128xf32>
    %slice3A_239 = vector.extract_strided_slice %reshape3A_50 {offsets = [0, 7424], sizes = [128, 128], strides = [1, 1]} : vector<128x8192xf32> to vector<128x128xf32>
    %mul3A_240 = arith.mulf %slice3A_239, %slice3A_239 : vector<128x128xf32>
    %add3A_241 = arith.addf %add3A_238, %mul3A_240 : vector<128x128xf32>
    %slice3A_242 = vector.extract_strided_slice %reshape3A_50 {offsets = [0, 7552], sizes = [128, 128], strides = [1, 1]} : vector<128x8192xf32> to vector<128x128xf32>
    %mul3A_243 = arith.mulf %slice3A_242, %slice3A_242 : vector<128x128xf32>
    %add3A_244 = arith.addf %add3A_241, %mul3A_243 : vector<128x128xf32>
    %slice3A_245 = vector.extract_strided_slice %reshape3A_50 {offsets = [0, 7680], sizes = [128, 128], strides = [1, 1]} : vector<128x8192xf32> to vector<128x128xf32>
    %mul3A_246 = arith.mulf %slice3A_245, %slice3A_245 : vector<128x128xf32>
    %add3A_247 = arith.addf %add3A_244, %mul3A_246 : vector<128x128xf32>
    %slice3A_248 = vector.extract_strided_slice %reshape3A_50 {offsets = [0, 7808], sizes = [128, 128], strides = [1, 1]} : vector<128x8192xf32> to vector<128x128xf32>
    %mul3A_249 = arith.mulf %slice3A_248, %slice3A_248 : vector<128x128xf32>
    %add3A_250 = arith.addf %add3A_247, %mul3A_249 : vector<128x128xf32>
    %slice3A_251 = vector.extract_strided_slice %reshape3A_50 {offsets = [0, 7936], sizes = [128, 128], strides = [1, 1]} : vector<128x8192xf32> to vector<128x128xf32>
    %mul3A_252 = arith.mulf %slice3A_251, %slice3A_251 : vector<128x128xf32>
    %add3A_253 = arith.addf %add3A_250, %mul3A_252 : vector<128x128xf32>
    %slice3A_254 = vector.extract_strided_slice %reshape3A_50 {offsets = [0, 8064], sizes = [128, 128], strides = [1, 1]} : vector<128x8192xf32> to vector<128x128xf32>
    %mul3A_255 = arith.mulf %slice3A_254, %slice3A_254 : vector<128x128xf32>
    %add3A_256 = arith.addf %add3A_253, %mul3A_255 : vector<128x128xf32>
    %get3A_257 = arith.constant 0 : index
    %get3A_258 = arith.constant 0 : index
    %get3A_259 = vector.load %arg2[%get3A_257, %get3A_258] : memref<16x128xf32, #tpu.memory_space<vmem>>, vector<16x128xf32>
    %dot_general3A_260 = arith.constant dense<0.000000e+00> : vector<16x128xf32>
    %dot_general3A_261 = tpu.matmul %get3A_259, %add3A_256, %dot_general3A_260 {dimension_numbers = #tpu.dot_dimension_numbers<[1], [1], [0], [0], [0, 0, 1, 0], [], []>, precision = #tpu.contract_precision<fp32>, transpose_lhs_hint = false} : vector<16x128xf32>, vector<128x128xf32>, vector<16x128xf32> -> vector<16x128xf32>
    %mul3A_262 = arith.mulf %mul3A_51, %reshape3A : vector<16x8192xf32>
    %reduce_sum3A = arith.constant dense<0.000000e+00> : vector<16xf32>
    %reduce_sum3A_263 = vector.multi_reduction <add>, %mul3A_262, %reduce_sum3A [1] : vector<16x8192xf32> to vector<16xf32>
    %broadcast_in_dim3A = vector.shape_cast %reduce_sum3A_263 : vector<16xf32> to vector<16x1xf32>
    %add3A_264 = vector.broadcast %broadcast_in_dim3A : vector<16x1xf32> to vector<16x128xf32>
    %add3A_265 = arith.addf %add3A_264, %dot_general3A_261 : vector<16x128xf32>
    %mul3A_266 = arith.constant 2.000000e+00 : f32
    %mul3A_267 = vector.broadcast %mul3A_266 : f32 to vector<16x128xf32>
    %mul3A_268 = arith.mulf %mul3A_267, %add3A_65 : vector<16x128xf32>
    %sub3A_269 = arith.subf %add3A_265, %mul3A_268 : vector<16x128xf32>
    %swap3A = arith.constant 0 : index
    %swap3A_270 = arith.constant 0 : index
    %swap3A_271 = vector.load %arg4[%swap3A, %swap3A_270] : memref<16x128xf32, #tpu.memory_space<vmem>>, vector<16x128xf32>
    tpu.vector_store %arg4[%swap3A, %swap3A_270], %sub3A_269 {strides = array<i32>} : memref<16x128xf32, #tpu.memory_space<vmem>>, vector<16x128xf32>,
    %reduce_min3A = arith.constant dense<0x7F800000> : vector<16xf32>
    %reduce_min3A_272 = vector.multi_reduction <minimumf>, %sub3A_269, %reduce_min3A [1] : vector<16x128xf32> to vector<16xf32>
    %broadcast_in_dim3A_273 = vector.shape_cast %reduce_min3A_272 : vector<16xf32> to vector<16x1xf32>
    %iota3A = tpu.iota {dimensions = array<i32: 1>} : vector<16x128xi32>
    %eq3A_274 = vector.broadcast %broadcast_in_dim3A_273 : vector<16x1xf32> to vector<16x128xf32>
    %eq3A_275 = arith.cmpf oeq, %sub3A_269, %eq3A_274 : vector<16x128xf32>
    %jit3A = arith.constant 512 : i32
    %broadcast_in_dim3A_276 = vector.broadcast %jit3A : i32 to vector<16x128xi32>
    %select_n3A = arith.select %eq3A_275, %iota3A, %broadcast_in_dim3A_276 : vector<16x128xi1>, vector<16x128xi32>
    %reduce_min3A_277 = arith.constant dense<2147483647> : vector<16xi32>
    %reduce_min3A_278 = vector.multi_reduction <minsi>, %select_n3A, %reduce_min3A_277 [1] : vector<16x128xi32> to vector<16xi32>
    %broadcast_in_dim3A_279 = vector.shape_cast %reduce_min3A_278 : vector<16xi32> to vector<16x1xi32>
    %mul3A_280 = arith.constant 128 : i32
    %mul3A_281 = arith.muli %arg0, %mul3A_280 : i32
    %add3A_282 = vector.broadcast %mul3A_281 : i32 to vector<16x1xi32>
    %add3A_283 = arith.addi %broadcast_in_dim3A_279, %add3A_282 : vector<16x1xi32>
    %eq3A_284 = arith.constant 0 : i32
    %eq3A_285 = arith.cmpi eq, %arg0, %eq3A_284 : i32
    %convert_element_type3A_286 = arith.extui %eq3A_285 : i1 to i32
    %cond3A_287 = arith.constant 0 : i32
    %cond3A_288 = arith.cmpi ne, %convert_element_type3A_286, %cond3A_287 : i32
    scf.if %cond3A_288 {
      %swap3A_298 = arith.constant 0 : index
      %swap3A_299 = arith.constant 0 : index
      %swap3A_300 = vector.load %arg8[%swap3A_298, %swap3A_299] : memref<16x1xf32, #tpu.memory_space<vmem>>, vector<16x1xf32>
      tpu.vector_store %arg8[%swap3A_298, %swap3A_299], %broadcast_in_dim3A_273 {strides = array<i32>} : memref<16x1xf32, #tpu.memory_space<vmem>>, vector<16x1xf32>,
      %swap3A_301 = arith.constant 0 : index
      %swap3A_302 = arith.constant 0 : index
      %swap3A_303 = vector.load %arg9[%swap3A_301, %swap3A_302] : memref<16x1xi32, #tpu.memory_space<vmem>>, vector<16x1xi32>
      tpu.vector_store %arg9[%swap3A_301, %swap3A_302], %add3A_283 {strides = array<i32>} : memref<16x1xi32, #tpu.memory_space<vmem>>, vector<16x1xi32>,
    } else {
    }
    %gt3A = arith.constant 0 : i32
    %gt3A_289 = arith.cmpi sgt, %arg0, %gt3A : i32
    %convert_element_type3A_290 = arith.extui %gt3A_289 : i1 to i32
    %cond3A_291 = arith.constant 0 : i32
    %cond3A_292 = arith.cmpi ne, %convert_element_type3A_290, %cond3A_291 : i32
    scf.if %cond3A_292 {
      %get3A_298 = arith.constant 0 : index
      %get3A_299 = arith.constant 0 : index
      %get3A_300 = vector.load %arg8[%get3A_298, %get3A_299] : memref<16x1xf32, #tpu.memory_space<vmem>>, vector<16x1xf32>
      %lt3A_301 = arith.cmpf olt, %broadcast_in_dim3A_273, %get3A_300 : vector<16x1xf32>
      %get3A_302 = arith.constant 0 : index
      %get3A_303 = arith.constant 0 : index
      %get3A_304 = vector.load %arg9[%get3A_302, %get3A_303] : memref<16x1xi32, #tpu.memory_space<vmem>>, vector<16x1xi32>
      %select_n3A_305 = arith.select %lt3A_301, %add3A_283, %get3A_304 : vector<16x1xi1>, vector<16x1xi32>
      %swap3A_306 = arith.constant 0 : index
      %swap3A_307 = arith.constant 0 : index
      %swap3A_308 = vector.load %arg9[%swap3A_306, %swap3A_307] : memref<16x1xi32, #tpu.memory_space<vmem>>, vector<16x1xi32>
      tpu.vector_store %arg9[%swap3A_306, %swap3A_307], %select_n3A_305 {strides = array<i32>} : memref<16x1xi32, #tpu.memory_space<vmem>>, vector<16x1xi32>,
      %get3A_309 = arith.constant 0 : index
      %get3A_310 = arith.constant 0 : index
      %get3A_311 = vector.load %arg8[%get3A_309, %get3A_310] : memref<16x1xf32, #tpu.memory_space<vmem>>, vector<16x1xf32>
      %select_n3A_312 = arith.select %lt3A_301, %broadcast_in_dim3A_273, %get3A_311 : vector<16x1xi1>, vector<16x1xf32>
      %swap3A_313 = arith.constant 0 : index
      %swap3A_314 = arith.constant 0 : index
      %swap3A_315 = vector.load %arg8[%swap3A_313, %swap3A_314] : memref<16x1xf32, #tpu.memory_space<vmem>>, vector<16x1xf32>
      tpu.vector_store %arg8[%swap3A_313, %swap3A_314], %select_n3A_312 {strides = array<i32>} : memref<16x1xf32, #tpu.memory_space<vmem>>, vector<16x1xf32>,
    } else {
    }
    %eq3A_293 = arith.constant 3 : i32
    %eq3A_294 = arith.cmpi eq, %arg0, %eq3A_293 : i32
    %convert_element_type3A_295 = arith.extui %eq3A_294 : i1 to i32
    %cond3A_296 = arith.constant 0 : i32
    %cond3A_297 = arith.cmpi ne, %convert_element_type3A_295, %cond3A_296 : i32
    scf.if %cond3A_297 {
      %get3A_298 = arith.constant 0 : index
      %get3A_299 = arith.constant 0 : index
      %get3A_300 = vector.load %arg9[%get3A_298, %get3A_299] : memref<16x1xi32, #tpu.memory_space<vmem>>, vector<16x1xi32>
      %swap3A_301 = arith.constant 0 : index
      %swap3A_302 = arith.constant 0 : index
      %swap3A_303 = vector.load %arg5[%swap3A_301, %swap3A_302] : memref<16x1xi32, #tpu.memory_space<vmem>>, vector<16x1xi32>
      tpu.vector_store %arg5[%swap3A_301, %swap3A_302], %get3A_300 {strides = array<i32>} : memref<16x1xi32, #tpu.memory_space<vmem>>, vector<16x1xi32>,
    } else {
    }
    return
  }
  func.func @transform_0(%arg0: i32) -> (i32, i32, i32) {
    %c0_i32 = arith.constant 0 : i32
    %c0_i32_0 = arith.constant 0 : i32
    %c0_i32_1 = arith.constant 0 : i32
    %c0_i32_2 = arith.constant 0 : i32
    return %c0_i32, %c0_i32_0, %c0_i32_1 : i32, i32, i32
  }
  func.func @transform_1(%arg0: i32) -> (i32, i32) {
    %c0_i32 = arith.constant 0 : i32
    %c0_i32_0 = arith.constant 0 : i32
    %c0_i32_1 = arith.constant 0 : i32
    return %c0_i32, %c0_i32_0 : i32, i32
  }
  func.func @transform_3(%arg0: i32) -> (i32, i32) {
    %c0_i32 = arith.constant 0 : i32
    %c0_i32_0 = arith.constant 0 : i32
    return %c0_i32, %arg0 : i32, i32
  }
  func.func @transform_4(%arg0: i32) -> (i32, i32) {
    %c0_i32 = arith.constant 0 : i32
    %c0_i32_0 = arith.constant 0 : i32
    %c0_i32_1 = arith.constant 0 : i32
    return %c0_i32, %c0_i32_0 : i32, i32
  }
}

</mosaic_0001>

<sc_bundles>
// kernel: kernel.4.cloned.1.call-start
scs
__scs_entry_jumppad:
0x0: {  	(pc) =	sbr.rel $0x88, $3  }
0x1: {  	(tag) =	ssettag $0x0;
	lr =	simm.s32 $0x1  }
0x2: {  	[smem:$0x3F9D] =	sst lr;
	_ =	strace $0xD0000000  }
0x3: {  	_ = 	snop  }
0x4: {  	_ = 	snop  }
0x5: {  	_ = 	snop  }
0x6: {  	_ = 	snop  }
0x7: {  	_ = 	snop  }
__scs_overlays_trampoline_lowered:
0x8: {  	[smem:$0x3FAC] =	sst s0  }
0x9: {  	[smem:$0x3FAD] =	sst s1  }
0xa: {  	[smem:$0x3FAE] =	sst s2  }
0xb: {  	[smem:$0x3FAF] =	sst s3  }
0xc: {  	[smem:$0x3FB0] =	sst s4  }
0xd: {  	[smem:$0x3FB1] =	sst s5  }
0xe: {  	[smem:$0x3FB2] =	sst s6  }
0xf: {  	[smem:$0x3FB3] =	sst s7  }
0x10: {  	[smem:$0x3FB4] =	sst s8  }
0x11: {  	[smem:$0x3FB5] =	sst s9;
	s0 =	simm.s32 @!p0 $0x0  }
0x12: {  	s1 =	sld [smem:$0x3F9B];
	s0 =	simm.s32 @p0 $0x1  }
0x13: {  	[smem:$0x3FB6] =	sst s0;
	s0 =	simm.s32 @!p1 $0x0  }
0x14: {  	s2 =	sld [smem:$0x3F9A];
	s0 =	simm.s32 @p1 $0x1  }
0x15: {  	[smem:$0x3FB7] =	sst s0;
	s0 =	simm.s32 @!p2 $0x0  }
0x16: {  	s3 =	sld [smem:$0x3FDB];
	s0 =	simm.s32 @p2 $0x1  }
0x17: {  	s4 =	simm.s32 $0x1BF5;
	[smem:$0x3FB9] =	sst s0  }
0x18: {  	s0 =	sld [smem:$0x3F9C];
	_ =	swait.ge [sflag:s4], $0x0  }
0x19: {  	s7 =	sld [smem:$0x3F9D]  }
0x1a: {  	s8 =	sadd.s32 $0xFFFFE003, lr  }
0x1b: {  	s9 =	sadd.s32 $0xFFFFFEF7, lr;
	s5 =	simm.s32 $0xFFFFFFFF;
	p2 =	slt.u32 s8, $0xFFFFF086  }
0x1c: {  	p1 =	slt.u32 s9, $0xF7A;
	s5 =	simm.s32 @!p2 $0x0  }
0x1d: {  	s5 =	simm.s32 @p1 $0x1;
	p0 =	seq.s32 s7, s2  }
0x1e: {  	s7 =	smul.u32 @!p0 $0xF7A, s2;
	p2 =	seq.s32 @!p0 s5, $0x0  }
0x1f: {  	s9 =	smul.u32 $0xF7A, s1;
	s8 =	simm.s32 @!p0 $0x1BF5;
	p2 =	por !p2, p0  }
0x20: {  	[sflag:s8] =	ssyncset.s32 @!p0 $0xFFFFF086;
	s6 =	sadd.s32 @!p0 s3, s7;
	s7 =	simm.s32 @!p0 $0x108  }
0x21: {  	s3 =	sadd.s32 s3, s9;
	s6 =	sadd.s32 @!p0 $0x88, s6;
	s7 =	simm.s32 @p2 $0x1082  }
0x22: {  	[simem:s7], [sflag:s8] =	dma.local @!p0 [hbm:s6], $0xF7A  }
0x23: {  	s9 =	sor.u32 $0xD0000000, s2;
	s6 =	simm.s32 $0x108;
	_ =	swait.ge @!p0 [sflag:s8], $0x0  }
0x24: {  	s3 =	sadd.s32 $0x88, s3;
	s6 =	simm.s32 @!p1 $0x1082;
	[sflag:s4] =	ssyncset.s32 $0xFFFFF086  }
0x25: {  	[simem:s6], [sflag:s4] =	dma.local [hbm:s3], $0xF7A  }
0x26: {  	[smem:$0x3F9D] =	sst s1;
	(tag) =	ssettag s2;
	_ =	strace s9  }
0x27: {  	s1 =	sld [smem:$0x3FAD]  }
0x28: {  	s2 =	sld [smem:$0x3FAE]  }
0x29: {  	s4 =	sld [smem:$0x3FB0]  }
0x2a: {  	p0 =	seq.s32 s5, $0x0;
	s5 =	sld [smem:$0x3FB1]  }
0x2b: {  	s6 =	sld [smem:$0x3FB2]  }
0x2c: {  	s7 =	sld [smem:$0x3FB3]  }
0x2d: {  	s3 =	simm.s32 $0x108;
	s8 =	sld [smem:$0x3FB4]  }
0x2e: {  	s3 =	simm.s32 @!p0 $0x1082;
	s9 =	sld [smem:$0x3FB5]  }
0x2f: {  	lr =	sadd.s32 s0, s3;
	s0 =	sld [smem:$0x3FAC]  }
0x30: {  	s3 =	sld [smem:$0x3FAF]  }
0x31: {  	[smem:$0x3FB8] =	sst s10  }
0x32: {  	s10 =	sld [smem:$0x3FB6];
	_ =	sdelay $0x3  }
0x33: {  	p0 =	seq.s32 s10, $0x1;
	s10 =	sld [smem:$0x3FB8];
	_ =	sdelay $0x3  }
0x34: {  	[smem:$0x3FB8] =	sst s10  }
0x35: {  	s10 =	sld [smem:$0x3FB7];
	_ =	sdelay $0x3  }
0x36: {  	p1 =	seq.s32 s10, $0x1;
	s10 =	sld [smem:$0x3FB8];
	_ =	sdelay $0x3  }
0x37: {  	[smem:$0x3FB8] =	sst s10  }
0x38: {  	s10 =	sld [smem:$0x3FB9]  }
0x39: {  	_ = 	snop;
	(pc) =	sbr.ind lr, $3  }
0x3a: {  	_ = 	snop  }
0x3b: {  	_ = 	snop  }
0x3c: {  	p2 =	seq.s32 s10, $0x1;
	s10 =	sld [smem:$0x3FB8]  }
0x3d: {  	_ =	shalt  }
0x3e: {  	_ =	shalt  }
0x3f: {  	_ =	shalt  }
0x40: {  	_ =	shalt  }
0x41: {  	_ =	shalt  }
0x42: {  	_ =	shalt  }
0x43: {  	_ =	shalt  }
0x44: {  	_ =	shalt  }
0x45: {  	_ =	shalt  }
0x46: {  	_ =	shalt  }
0x47: {  	_ =	shalt  }
0x48: {  	_ =	shalt  }
0x49: {  	_ =	shalt  }
0x4a: {  	_ =	shalt  }
0x4b: {  	_ =	shalt  }
0x4c: {  	_ =	shalt  }
0x4d: {  	_ =	shalt  }
0x4e: {  	_ =	shalt  }
0x4f: {  	_ =	shalt  }
0x50: {  	_ =	shalt  }
0x51: {  	_ =	shalt  }
0x52: {  	_ =	shalt  }
0x53: {  	_ =	shalt  }
0x54: {  	_ =	shalt  }
0x55: {  	_ =	shalt  }
0x56: {  	_ =	shalt  }
0x57: {  	_ =	shalt  }
0x58: {  	_ =	shalt  }
0x59: {  	_ =	shalt  }
0x5a: {  	_ =	shalt  }
0x5b: {  	_ =	shalt  }
0x5c: {  	_ =	shalt  }
0x5d: {  	_ =	shalt  }
0x5e: {  	_ =	shalt  }
0x5f: {  	_ =	shalt  }
0x60: {  	_ =	shalt  }
0x61: {  	_ =	shalt  }
0x62: {  	_ =	shalt  }
0x63: {  	_ =	shalt  }
0x64: {  	_ =	shalt  }
0x65: {  	_ =	shalt  }
0x66: {  	_ =	shalt  }
0x67: {  	_ =	shalt  }
0x68: {  	_ =	shalt  }
0x69: {  	_ =	shalt  }
0x6a: {  	_ =	shalt  }
0x6b: {  	_ =	shalt  }
0x6c: {  	_ =	shalt  }
0x6d: {  	_ =	shalt  }
0x6e: {  	_ =	shalt  }
0x6f: {  	_ =	shalt  }
0x70: {  	_ =	shalt  }
0x71: {  	_ =	shalt  }
0x72: {  	_ =	shalt  }
0x73: {  	_ =	shalt  }
0x74: {  	_ =	shalt  }
0x75: {  	_ =	shalt  }
0x76: {  	_ =	shalt  }
0x77: {  	_ =	shalt  }
0x78: {  	_ =	shalt  }
0x79: {  	_ =	shalt  }
0x7a: {  	_ =	shalt  }
0x7b: {  	_ =	shalt  }
0x7c: {  	_ =	shalt  }
0x7d: {  	_ =	shalt  }
0x7e: {  	_ =	shalt  }
0x7f: {  	_ =	shalt  }
0x80: {  	_ =	shalt  }
0x81: {  	_ =	shalt  }
0x82: {  	_ =	shalt  }
0x83: {  	_ =	shalt  }
0x84: {  	_ =	shalt  }
0x85: {  	_ =	shalt  }
0x86: {  	_ =	shalt  }
0x87: {  	_ =	shalt  }
.Lfunc_end0:
.L_simem_size_0:
called_computation_lowered:
.L_overlay_start_0:
0x88: {  	s0 =	sld [smem:$0x3FD9]  }
0x89: {  	s1 =	sld [smem:$0x3FFE];
	_ =	sdelay $0x3  }
0x8a: {  	s0 =	sadd.s32 s1, s0  }
0x8b: {  	[smem:$0x3FC4] =	sst s0  }
0x8c: {  	_ = 	snop  }
0x8d: {  	s0 =	sld [smem:$0x3FD0];
	_ =	sdelay $0x2  }
0x8e: {  	s2 =	simm.s32 $0xA;
	s3 =	simm.s32 $0x10;
	s14 =	sld [smem:$0x3FC6]  }
0x8f: {  	[smem:s3], [sflag:s2] =	dma.local [hbm:s0], $0x1  }
0x90: {  	_ =	swait.eq [sflag:s2], $0x1  }
0x91: {  	[sflag:s2] =	ssyncset.done $0x0  }
0x92: {  	s15 =	sld [smem:$0x11];
	[sflag:s2] =	ssyncadd.s32 $0xFFFFFFFF  }
0x93: {  	s16 =	sld [smem:$0x13];
	(tm) =	ssettm $0x1  }
0x94: {  	s17 =	sld [smem:$0x3FFB];
	_ =	sdelay $0x3  }
0x95: {  	_ =	strace s17  }
0x96: {  	s3 =	sld [smem:$0x3FFC];
	_ =	sdelay $0x3  }
0x97: {  	_ =	strace s3  }
0x98: {  	s3 =	sld [smem:$0x3FFD];
	_ =	sdelay $0x3  }
0x99: {  	_ =	strace s3  }
0x9a: {  	_ =	strace $0x8FFFFFFF  }
0x9b: {  	s18 =	sld [smem:$0x3FDB];
	_ =	sdelay $0x1  }
0x9c: {  	s4 =	simm.s32 $_scs_section_size  }
0x9d: {  	s5 =	simm.s32 $_size__tile_overlayer_lowered;
	s6 =	simm.s32 $_tile_overlayer_lowered  }
0x9e: {  	s21 =	simm.s32 $0x1BFF;
	s20 =	sshll.u32 s6, $0x1;
	s3 =	sadd.s32 s4, s18  }
0x9f: {  	s7 =	simm.s32 $0x0;
	s19 =	sshll.u32 s5, $0x1;
	s5 =	sadd.s32 s20, s3  }
0xa0: {  	[timem:s7], [sflag:s21] =	dma.local [hbm:s5], s19  }
0xa1: {  	_ =	swait.ge [sflag:s21], s19  }
0xa2: {  	s4 =	ssub.s32 $0x0, s19;
	[sflag:s21] =	ssyncset.done $0x0  }
0xa3: {  	[sflag:s21] =	ssyncadd.s32 s4;
	_ =	sdelay $0x1  }
0xa4: {  	s22 =	simm.s32 $0x1B8B  }
0xa5: {  	_ =	swait.ge [sflag:s22], $0x1  }
0xa6: {  	[sflag:s22] =	ssyncset.done $0x0  }
0xa7: {  	s23 =	simm.s32 $0x1B8E;
	[sflag:s22] =	ssyncadd.s32 $0xFFFFFFFF  }
0xa8: {  	s24 =	simm.s32 $execute0_lowered;
	[smem:$0x3FD2] =	sst s23  }
0xa9: {  	s4 =	sshll.u32 s24, $0x1;
	_ =	strace $0x80000046;
	[dreg:$0x1] =	wrdreg $0xFFFFFFFF  }
0xaa: {  	s25 =	simm.s32 $_size_execute0_lowered;
	s3 =	sadd.s32 s3, s4;
	[dreg:$0x0] =	wrdreg $0x0  }
0xab: {  	s4 =	sshll.u32 s25, $0x1;
	[dreg:$0x2] =	wrdreg s3  }
0xac: {  	[dreg:$0x3] =	wrdreg s4  }
0xad: {  	[dreg:$0x4] =	wrdreg $0xC0  }
0xae: {  	_ =	task [dreg:s7], $0x5FFFF  }
0xaf: {  	[dreg:$0x1] =	wrdreg $0xFFFFFFFF  }
0xb0: {  	[dreg:$0x0] =	wrdreg $0x60  }
0xb1: {  	[dreg:$0x2] =	wrdreg s16  }
0xb2: {  	[dreg:$0x3] =	wrdreg s14  }
0xb3: {  	[dreg:$0x4] =	wrdreg s15  }
0xb4: {  	[dreg:$0x5] =	wrdreg $0x9  }
0xb5: {  	_ =	task.clear_ibuf [dreg:s7], $0x6FFFF;
	_ =	strace $0x90000046  }
0xb6: {  	s26 =	simm.s32 $0x9;
	_ =	strace $0x80000048  }
0xb7: {  	_ =	swait.ge [sflag:s26], $0x1  }
0xb8: {  	[sflag:s26] =	ssyncadd.s32 $0xFFFFFFFF  }
0xb9: {  	_ =	strace $0x90000048  }
0xba: {  	_ =	sfence  }
0xbb: {  	s28 =	sld [smem:$0x0];
	_ =	sdelay $0x1  }
0xbc: {  	s29 =	srdreg.scid  }
0xbd: {  	s30 =	sshll.u32 s29, $0xD;
	s31 =	sshrl.u32 s29, $0x2  }
0xbe: {  	s1 =	sand.u32 $0x1, s29;
	s2 =	sand.u32 $0x4000, s30;
	s0 =	sadd.s32 s31, s28  }
0xbf: {  	s1 =	sor.u32 s2, s1;
	s0 =	sshll.u32 s0, $0x11  }
0xc0: {  	s0 =	sor.u32 s0, s1  }
0xc1: {  	s0 =	sadd.s32 $0x8F2B, s0  }
0xc2: {  	[sflag:s0] =	ssyncadd.remote.s32 $0x1  }
0xc3: {  	_ =	sfence.sel $0xFFFF  }
0xc4: {  	[dreg:$0x0] =	wrdreg $0xFFFFFFFF;
	(pc) =	sbr.abs _section_cstart, $3  }
0xc5: {  	[dreg:$0x1] =	wrdreg $0xFFFFFFFF  }
0xc6: {  	_ =	task.clear_ibuf [dreg:s7], $0x2FFFF;
	_ =	strace $0x9FFFFFFF  }
0xc7: {  	(tm) =	ssettm $0x7FFFFFFF  }
tec
execute0_lowered:
.L_overlay_start_1:
0x0: {  	(tag) =	ssettag $0x1  }
0x1: {  	s0 =	rddreg [dreg:$0x0]  }
0x2: {  	s1 =	rddreg [dreg:$0x1]  }
0x3: {  	s2 =	rddreg [dreg:$0x2];
	s4 =	simm.s32 $0x0  }
0x4: {  	[smem:$0x7FF] =	sst s4  }
0x5: {  	s3 =	rddreg [dreg:$0x3];
	s28 =	simm.s32 $0x2;
	_ =	strace $0x80000047  }
0x6: {  	[tilespmem:s4], [sflag:$0x2] =	stream.linear.gather [hbm4b:s0+s4], $0x80, $0x38;
	[tilespmem:$0x2100] =	vst v63  }
0x7: {  	_ =	swait.ge [sflag:s28], $0x80  }
0x8: {  	[sflag:s28] =	ssyncset.done $0x0  }
0x9: {  	[sflag:s28] =	ssyncadd.s32 $0xFFFFFF80  }
0xa: {  	v0 =	vld [tilespmem:$0x0];
	_ =	sdelay $0x3  }
0xb: {  	s5 =	stileid.u32  }
0xc: {  	s6 =	sshll.u32 s5, $0x2;
	v0 =	vshll.u32 v0, $0x6  }
0xd: {  	v0 =	vor.u32 s6, v0  }
0xe: {  	[tilespmem:$0x80] =	vst v0;
	v1 =	vor.u32 $0x1, v0  }
0xf: {  	v63 =	vor.u32 $0x2, v0;
	[tilespmem:$0x90] =	vst v1  }
0x10: {  	s29 =	simm.s32 $0x40;
	v0 =	vor.u32 $0x3, v0;
	[tilespmem:$0xA0] =	vst v63  }
0x11: {  	s7 =	simm.s32 $0x80;
	s8 =	simm.s32 $0x100;
	s30 =	simm.s32 $0x1;
	[tilespmem:$0xB0] =	vst v0  }
0x12: {  	[tilespmem:s8], [sflag:$0x1] =	stream.indirect.gather [hbm4b:s1+s29], $0x80, s7, s29, $0xb8;
	[tilespmem:$0x2100] =	vst v63  }
0x13: {  	_ =	swait.ge [sflag:s30], $0x2000  }
0x14: {  	s31 =	sshll.u32 s5, $0xA;
	[sflag:s30] =	ssyncset.done $0x0  }
0x15: {  	s2 =	sadd.s32 s2, s31;
	[sflag:s30] =	ssyncadd.s32 $0xFFFFE000  }
0x16: {  	[hbm4b:s2+s4] =	stream.linear.scatter [tilespmem:s8], [sflag:$0x2], $0x2000, $0x38;
	[tilespmem:$0x2100] =	vst v63  }
0x17: {  	_ =	swait.ge [sflag:s28], $0x2000  }
0x18: {  	[sflag:s28] =	ssyncset.done $0x0  }
0x19: {  	[sflag:s28] =	ssyncadd.s32 $0xFFFFE000  }
0x1a: {  	_ =	sfence.sel $0x180000  }
0x1b: {  	[bflag:$0x0] =	sbarrier.arrive $0xFFFF  }
0x1c: {  	p0 =	sne.s32 s5, $0x0;
	_ =	strace $0x90000047  }
0x1d: {  	s0 =	sadd.s32 @!p0 $0x100000, s3;
	[bflag:$0x2] =	sbarrier.arrive $0xFFFF  }
0x1e: {  	[sflag:s0] =	ssyncadd.tile.s32 @!p0 $0x1;
	_ =	shalt  }
.Lfunc_end2:
_tile_overlayer_lowered:
.L_overlay_start_2:
0x1f: {  	(tag) =	ssettag $0x2  }
0x20: {  	s0 =	rddreg [dreg:$0x0];
	s2 =	stileid.u32  }
0x21: {  	s1 =	rddreg [dreg:$0x1];
	p0 =	sne.s32 s2, $0x0  }
0x22: {  	s3 =	rddreg [dreg:$0x2];
	[bflag:$0x3] =	sbarrier.arrive $0xFFFF;
	s2 =	simm.s32 @!p0 $0x1C02  }
0x23: {  	[timem:s3], [sflag:s2] =	dma.local @!p0 [hbm:s0], s1  }
0x24: {  	s0 =	simm.s32 @!p0 $0x2  }
0x25: {  	_ =	swait.ge @!p0 [sflag:s0], s1  }
0x26: {  	s1 =	ssub.s32 @!p0 $0x0, s1;
	[sflag:s0] =	ssyncset.done @!p0 $0x0  }
0x27: {  	[sflag:s0] =	ssyncadd.s32 @!p0 s1  }
0x28: {  	[bflag:$0x3] =	sbarrier.arrive $0xFFFF  }
0x29: {  	_ =	shalt  }

</sc_bundles>
